<compile_context>
chip_gen: v7x
topology: tpu7x:2x2x1
jax: 0.10.2.dev20260603
libtpu: 0.0.44.dev20260713+nightly
codegen_flags: <defaults>
</compile_context>

<pallas_src>
import functools

import jax
import jax.numpy as jnp
from jax import lax
from jax.experimental import pallas as pl
from jax.experimental.pallas import tpu as pltpu
from jax.experimental.pallas import tpu_sc as plsc

B = 16384
C = 1000
Q = 4
BLK = 1024
NSTEP = B // (Q * BLK)
QROWS = B // Q
RATE = 0.7
KEEP = min(B, int(B * RATE))
PROBE = True


def _loss_one(x, t):
    m = jnp.max(x, axis=1, keepdims=True)
    if PROBE:
        return m
    s = jnp.sum(jnp.exp(x - m), axis=1, keepdims=True)
    lse = m + jnp.log(s)
    col = jax.lax.broadcasted_iota(jnp.int32, x.shape, 1)
    tgt = jnp.sum(jnp.where(col == t, x, 0.0), axis=1, keepdims=True)
    return lse - tgt


def _loss_body(*refs):
    x_refs = refs[:Q]
    t_refs = refs[Q:2 * Q]
    o_refs = refs[2 * Q:]
    for q in range(Q):
        o_refs[q][...] = _loss_one(x_refs[q][...], t_refs[q][...])


def _topk_body(l_ref, o_ref):
    loss = l_ref[...]
    bits = jax.lax.bitcast_convert_type(loss, jnp.int32)

    def step(_, carry):
        lo, hi = carry
        mid = lo + (hi - lo + jnp.int32(1)) // 2
        cnt = jnp.sum((bits >= mid).astype(jnp.int32))
        ok = cnt >= KEEP
        return jnp.where(ok, mid, lo), jnp.where(ok, hi, mid - 1)

    lo, _ = jax.lax.fori_loop(
        0, 31, step, (jnp.int32(0), jnp.int32(0x7F7FFFFF)))
    thr = jax.lax.bitcast_convert_type(lo, jnp.float32)
    gt = loss > thr
    c_gt = jnp.sum(gt.astype(jnp.int32))
    s_gt = jnp.sum(jnp.where(gt, loss, 0.0))
    total = s_gt + (KEEP - c_gt).astype(jnp.float32) * thr
    o_ref[...] = jnp.reshape(total / jnp.float32(KEEP), (1, 1))


def _x_spec(q):
    return pl.BlockSpec((BLK, C), lambda i, q=q: (q * NSTEP + i, 0))


def _t_spec(q):
    return pl.BlockSpec((BLK, 1), lambda i, q=q: (q * NSTEP + i, 0))


TC_ROWS = 9216
SC_ROWS = B - TC_ROWS
ROWS_PER_TILE = SC_ROWS // 32
CH = 32
NCH = ROWS_PER_TILE // CH


def _sc_probe_body(x_hbm, o_hbm, buf0, buf1, ovec, sem0, sem1):
    cid = lax.axis_index("c")
    sid = lax.axis_index("s")
    wid = cid * 16 + sid
    base = TC_ROWS + wid * ROWS_PER_TILE
    bufs = (buf0, buf1)
    sems = (sem0, sem1)
    pltpu.make_async_copy(
        x_hbm.at[pl.ds(base, CH), :], buf0, sem0).start()
    for j in range(NCH):
        if j + 1 < NCH:
            pltpu.make_async_copy(
                x_hbm.at[pl.ds(base + (j + 1) * CH, CH), :],
                bufs[(j + 1) % 2], sems[(j + 1) % 2]).start()
        pltpu.make_async_copy(
            x_hbm.at[pl.ds(base + j * CH, CH), :],
            bufs[j % 2], sems[j % 2]).wait()
    ovec[...] = buf0[0, pl.ds(0, 16)]
    pltpu.sync_copy(ovec, o_hbm.at[wid])


NQ = 8
TCCH = 512
NTCCH = TC_ROWS // TCCH


def _tc_multiq_body(x_hbm, o_ref, *scratch):
    bufs = scratch[:NQ]
    sems = scratch[NQ:]

    def start(j, q):
        pltpu.make_async_copy(
            x_hbm.at[pl.ds(j * TCCH, TCCH), :], bufs[q], sems[q]).start()

    def wait(j, q):
        pltpu.make_async_copy(
            x_hbm.at[pl.ds(j * TCCH, TCCH), :], bufs[q], sems[q]).wait()

    for q in range(NQ):
        start(q, q)
    for j in range(NQ, NTCCH + NQ):
        q = j % NQ
        wait(j - NQ, q)
        if j < NTCCH:
            start(j, q)
    o_ref[...] = bufs[0][pl.ds(0, 8), pl.ds(0, 128)]


def kernel(cls_pred, cls_target):
    x_tc = cls_pred
    x_sc = cls_pred
    probe = pl.pallas_call(
        _tc_multiq_body,
        in_specs=[pl.BlockSpec(memory_space=pltpu.MemorySpace.HBM)],
        out_specs=pl.BlockSpec((8, 128), lambda: (0, 0)),
        out_shape=jax.ShapeDtypeStruct((8, 128), jnp.float32),
        scratch_shapes=[pltpu.VMEM((TCCH, C), jnp.float32)
                        for _ in range(NQ)]
        + [pltpu.SemaphoreType.DMA for _ in range(NQ)],
    )(x_tc)
    mesh = plsc.VectorSubcoreMesh(core_axis_name="c", subcore_axis_name="s")
    sprobe = pl.kernel(
        _sc_probe_body,
        out_type=jax.ShapeDtypeStruct((32, 16), jnp.float32),
        mesh=mesh,
        scratch_types=[
            pltpu.VMEM((CH, C), jnp.float32),
            pltpu.VMEM((CH, C), jnp.float32),
            pltpu.VMEM((16,), jnp.float32),
            pltpu.SemaphoreType.DMA,
            pltpu.SemaphoreType.DMA,
        ],
    )(x_sc)
    return jnp.sum(probe) + jnp.sum(sprobe)
    tgt = cls_target.astype(jnp.int32).reshape(B, 1)
    quarters = pl.pallas_call(
        _loss_body,
        grid=(NSTEP,),
        in_specs=[_x_spec(q) for q in range(Q)]
        + [_t_spec(q) for q in range(Q)],
        out_specs=[pl.BlockSpec((BLK, 1), lambda i: (i, 0))
                   for _ in range(Q)],
        out_shape=[jax.ShapeDtypeStruct((QROWS, 1), jnp.float32)
                   for _ in range(Q)],
    )(*([cls_pred] * Q), *([tgt] * Q))

    losses = jnp.concatenate(quarters, axis=0)
    out = pl.pallas_call(
        _topk_body,
        in_specs=[pl.BlockSpec((128, 128), lambda: (0, 0))],
        out_specs=pl.BlockSpec((1, 1), lambda: (0, 0)),
        out_shape=jax.ShapeDtypeStruct((1, 1), jnp.float32),
    )(losses.reshape(128, 128))
    return out[0, 0]

# --- scband reference (transcript-rebuilt; emitter-appended) ---
"""Pipeline reference for scband-topk-cross-entropy-73804718014480 (READ-ONLY COPY).

The authoritative reference and input builder live on the scoring server;
editing this copy changes nothing except your own understanding.
"""

import jax, jax.numpy as jnp
import numpy as np

RATE = 0.7

def setup_inputs(seed: int = 0) -> dict:
    key = jax.random.key(seed)
    k1, k2 = jax.random.split(key)
    cls_pred = jax.random.normal(k1, (16384, 1000), dtype=jnp.float32)
    cls_target = jax.random.randint(k2, (16384,), 0, 1000, dtype=jnp.int64) if jax.config.read('jax_enable_x64') else jax.random.randint(k2, (16384,), 0, 1000, dtype=jnp.int32)
    return {"cls_pred": cls_pred, "cls_target": cls_target}

def reference(cls_pred, cls_target):
    batch_size = cls_pred.shape[0]
    # F.cross_entropy(..., reduction='none', ignore_index=-1)
    logp = jax.nn.log_softmax(cls_pred, axis=-1)
    valid = cls_target != -1
    safe_tgt = jnp.where(valid, cls_target, 0)
    per_ex = -jnp.take_along_axis(logp, safe_tgt[:, None], axis=1)[:, 0]
    ohem_cls_loss = jnp.where(valid, per_ex, jnp.zeros_like(per_ex))
    # torch.sort descending; keep top keep_num losses (OHEM)
    sorted_loss = -jnp.sort(-ohem_cls_loss)
    keep_num = min(batch_size, int(batch_size * RATE))
    if keep_num < batch_size:
        kept = sorted_loss[:keep_num]
    else:
        kept = sorted_loss
    cls_loss = jnp.sum(kept) / keep_num
    return cls_loss

if __name__ == "__main__":
    import jax
    _d = setup_inputs()
    print(jax.jit(kernel)(*tuple(_d.values())))

</pallas_src>

<mosaic_0001>
#map = affine_map<(d0, d1) -> (0, 0)>
module attributes {stable_mosaic.version = 14 : i64} {
  func.func @_sc_probe_body(%arg0: i32, %arg1: i32, %arg2: memref<16384x1000xf32, #tpu.memory_space<hbm>>, %arg3: memref<32x16xf32, #tpu.memory_space<hbm>>, %arg4: memref<32x1000xf32, #tpu.memory_space<vmem>>, %arg5: memref<32x1000xf32, #tpu.memory_space<vmem>>, %arg6: memref<16xf32, #tpu.memory_space<vmem>>, %arg7: memref<!tpu.dma_semaphore, #tpu.memory_space<semaphore_mem>>, %arg8: memref<!tpu.dma_semaphore, #tpu.memory_space<semaphore_mem>>) attributes {dimension_semantics = [#tpu.dimension_semantics<core_parallel>, #tpu.dimension_semantics<subcore_parallel>], iteration_bounds = array<i64: 2, 16>, scalar_prefetch = 0 : i64, scratch_operands = 5 : i64, tpu.core_type = #tpu.core_type<sc_vector_subcore>, window_params = [{transform_indices = #map}, {transform_indices = #map}]} {
    %mul3A = arith.constant 16 : i32
    %mul3A_0 = arith.muli %arg0, %mul3A : i32
    %add3A = arith.addi %mul3A_0, %arg1 : i32
    %mul3A_1 = arith.constant 224 : i32
    %mul3A_2 = arith.muli %add3A, %mul3A_1 : i32
    %add3A_3 = arith.constant 9216 : i32
    %add3A_4 = arith.addi %add3A_3, %mul3A_2 : i32
    %dma_start3A = arith.constant 0 : i32
    %dma_start3A_5 = tpu.memref_slice %arg2[%add3A_4, %dma_start3A] : memref<16384x1000xf32, #tpu.memory_space<hbm>> -> memref<32x1000xf32, #tpu.memory_space<hbm>>
    %dma_start3A_6 = arith.constant 0 : i32
    %dma_start3A_7 = tpu.memref_slice %arg2[%add3A_4, %dma_start3A_6] : memref<16384x1000xf32, #tpu.memory_space<hbm>> -> memref<32x1000xf32, #tpu.memory_space<hbm>>
    tpu.enqueue_dma source(%dma_start3A_7 : memref<32x1000xf32, #tpu.memory_space<hbm>>) target(%arg4 : memref<32x1000xf32, #tpu.memory_space<vmem>>) target_semaphore(%arg7 : memref<!tpu.dma_semaphore, #tpu.memory_space<semaphore_mem>>)
    %add3A_8 = arith.constant 32 : i32
    %add3A_9 = arith.addi %add3A_4, %add3A_8 : i32
    %dma_start3A_10 = arith.constant 0 : i32
    %dma_start3A_11 = tpu.memref_slice %arg2[%add3A_9, %dma_start3A_10] : memref<16384x1000xf32, #tpu.memory_space<hbm>> -> memref<32x1000xf32, #tpu.memory_space<hbm>>
    %dma_start3A_12 = arith.constant 0 : i32
    %dma_start3A_13 = tpu.memref_slice %arg2[%add3A_9, %dma_start3A_12] : memref<16384x1000xf32, #tpu.memory_space<hbm>> -> memref<32x1000xf32, #tpu.memory_space<hbm>>
    tpu.enqueue_dma source(%dma_start3A_13 : memref<32x1000xf32, #tpu.memory_space<hbm>>) target(%arg5 : memref<32x1000xf32, #tpu.memory_space<vmem>>) target_semaphore(%arg8 : memref<!tpu.dma_semaphore, #tpu.memory_space<semaphore_mem>>)
    %add3A_14 = arith.constant 0 : i32
    %add3A_15 = arith.addi %add3A_4, %add3A_14 : i32
    %dma_wait3A = arith.constant 0 : i32
    %dma_wait3A_16 = tpu.memref_slice %arg2[%add3A_15, %dma_wait3A] : memref<16384x1000xf32, #tpu.memory_space<hbm>> -> memref<32x1000xf32, #tpu.memory_space<hbm>>
    %dma_wait3A_17 = arith.constant 0 : i32
    %dma_wait3A_18 = tpu.memref_slice %arg2[%add3A_15, %dma_wait3A_17] : memref<16384x1000xf32, #tpu.memory_space<hbm>> -> memref<32x1000xf32, #tpu.memory_space<hbm>>
    tpu.wait_dma2 semaphore(%arg7 : memref<!tpu.dma_semaphore, #tpu.memory_space<semaphore_mem>>) src(%dma_wait3A_18 : memref<32x1000xf32, #tpu.memory_space<hbm>>) dst(%arg4 : memref<32x1000xf32, #tpu.memory_space<vmem>>)
    %add3A_19 = arith.constant 64 : i32
    %add3A_20 = arith.addi %add3A_4, %add3A_19 : i32
    %dma_start3A_21 = arith.constant 0 : i32
    %dma_start3A_22 = tpu.memref_slice %arg2[%add3A_20, %dma_start3A_21] : memref<16384x1000xf32, #tpu.memory_space<hbm>> -> memref<32x1000xf32, #tpu.memory_space<hbm>>
    %dma_start3A_23 = arith.constant 0 : i32
    %dma_start3A_24 = tpu.memref_slice %arg2[%add3A_20, %dma_start3A_23] : memref<16384x1000xf32, #tpu.memory_space<hbm>> -> memref<32x1000xf32, #tpu.memory_space<hbm>>
    tpu.enqueue_dma source(%dma_start3A_24 : memref<32x1000xf32, #tpu.memory_space<hbm>>) target(%arg4 : memref<32x1000xf32, #tpu.memory_space<vmem>>) target_semaphore(%arg7 : memref<!tpu.dma_semaphore, #tpu.memory_space<semaphore_mem>>)
    %add3A_25 = arith.constant 32 : i32
    %add3A_26 = arith.addi %add3A_4, %add3A_25 : i32
    %dma_wait3A_27 = arith.constant 0 : i32
    %dma_wait3A_28 = tpu.memref_slice %arg2[%add3A_26, %dma_wait3A_27] : memref<16384x1000xf32, #tpu.memory_space<hbm>> -> memref<32x1000xf32, #tpu.memory_space<hbm>>
    %dma_wait3A_29 = arith.constant 0 : i32
    %dma_wait3A_30 = tpu.memref_slice %arg2[%add3A_26, %dma_wait3A_29] : memref<16384x1000xf32, #tpu.memory_space<hbm>> -> memref<32x1000xf32, #tpu.memory_space<hbm>>
    tpu.wait_dma2 semaphore(%arg8 : memref<!tpu.dma_semaphore, #tpu.memory_space<semaphore_mem>>) src(%dma_wait3A_30 : memref<32x1000xf32, #tpu.memory_space<hbm>>) dst(%arg5 : memref<32x1000xf32, #tpu.memory_space<vmem>>)
    %add3A_31 = arith.constant 96 : i32
    %add3A_32 = arith.addi %add3A_4, %add3A_31 : i32
    %dma_start3A_33 = arith.constant 0 : i32
    %dma_start3A_34 = tpu.memref_slice %arg2[%add3A_32, %dma_start3A_33] : memref<16384x1000xf32, #tpu.memory_space<hbm>> -> memref<32x1000xf32, #tpu.memory_space<hbm>>
    %dma_start3A_35 = arith.constant 0 : i32
    %dma_start3A_36 = tpu.memref_slice %arg2[%add3A_32, %dma_start3A_35] : memref<16384x1000xf32, #tpu.memory_space<hbm>> -> memref<32x1000xf32, #tpu.memory_space<hbm>>
    tpu.enqueue_dma source(%dma_start3A_36 : memref<32x1000xf32, #tpu.memory_space<hbm>>) target(%arg5 : memref<32x1000xf32, #tpu.memory_space<vmem>>) target_semaphore(%arg8 : memref<!tpu.dma_semaphore, #tpu.memory_space<semaphore_mem>>)
    %add3A_37 = arith.constant 64 : i32
    %add3A_38 = arith.addi %add3A_4, %add3A_37 : i32
    %dma_wait3A_39 = arith.constant 0 : i32
    %dma_wait3A_40 = tpu.memref_slice %arg2[%add3A_38, %dma_wait3A_39] : memref<16384x1000xf32, #tpu.memory_space<hbm>> -> memref<32x1000xf32, #tpu.memory_space<hbm>>
    %dma_wait3A_41 = arith.constant 0 : i32
    %dma_wait3A_42 = tpu.memref_slice %arg2[%add3A_38, %dma_wait3A_41] : memref<16384x1000xf32, #tpu.memory_space<hbm>> -> memref<32x1000xf32, #tpu.memory_space<hbm>>
    tpu.wait_dma2 semaphore(%arg7 : memref<!tpu.dma_semaphore, #tpu.memory_space<semaphore_mem>>) src(%dma_wait3A_42 : memref<32x1000xf32, #tpu.memory_space<hbm>>) dst(%arg4 : memref<32x1000xf32, #tpu.memory_space<vmem>>)
    %add3A_43 = arith.constant 128 : i32
    %add3A_44 = arith.addi %add3A_4, %add3A_43 : i32
    %dma_start3A_45 = arith.constant 0 : i32
    %dma_start3A_46 = tpu.memref_slice %arg2[%add3A_44, %dma_start3A_45] : memref<16384x1000xf32, #tpu.memory_space<hbm>> -> memref<32x1000xf32, #tpu.memory_space<hbm>>
    %dma_start3A_47 = arith.constant 0 : i32
    %dma_start3A_48 = tpu.memref_slice %arg2[%add3A_44, %dma_start3A_47] : memref<16384x1000xf32, #tpu.memory_space<hbm>> -> memref<32x1000xf32, #tpu.memory_space<hbm>>
    tpu.enqueue_dma source(%dma_start3A_48 : memref<32x1000xf32, #tpu.memory_space<hbm>>) target(%arg4 : memref<32x1000xf32, #tpu.memory_space<vmem>>) target_semaphore(%arg7 : memref<!tpu.dma_semaphore, #tpu.memory_space<semaphore_mem>>)
    %add3A_49 = arith.constant 96 : i32
    %add3A_50 = arith.addi %add3A_4, %add3A_49 : i32
    %dma_wait3A_51 = arith.constant 0 : i32
    %dma_wait3A_52 = tpu.memref_slice %arg2[%add3A_50, %dma_wait3A_51] : memref<16384x1000xf32, #tpu.memory_space<hbm>> -> memref<32x1000xf32, #tpu.memory_space<hbm>>
    %dma_wait3A_53 = arith.constant 0 : i32
    %dma_wait3A_54 = tpu.memref_slice %arg2[%add3A_50, %dma_wait3A_53] : memref<16384x1000xf32, #tpu.memory_space<hbm>> -> memref<32x1000xf32, #tpu.memory_space<hbm>>
    tpu.wait_dma2 semaphore(%arg8 : memref<!tpu.dma_semaphore, #tpu.memory_space<semaphore_mem>>) src(%dma_wait3A_54 : memref<32x1000xf32, #tpu.memory_space<hbm>>) dst(%arg5 : memref<32x1000xf32, #tpu.memory_space<vmem>>)
    %add3A_55 = arith.constant 160 : i32
    %add3A_56 = arith.addi %add3A_4, %add3A_55 : i32
    %dma_start3A_57 = arith.constant 0 : i32
    %dma_start3A_58 = tpu.memref_slice %arg2[%add3A_56, %dma_start3A_57] : memref<16384x1000xf32, #tpu.memory_space<hbm>> -> memref<32x1000xf32, #tpu.memory_space<hbm>>
    %dma_start3A_59 = arith.constant 0 : i32
    %dma_start3A_60 = tpu.memref_slice %arg2[%add3A_56, %dma_start3A_59] : memref<16384x1000xf32, #tpu.memory_space<hbm>> -> memref<32x1000xf32, #tpu.memory_space<hbm>>
    tpu.enqueue_dma source(%dma_start3A_60 : memref<32x1000xf32, #tpu.memory_space<hbm>>) target(%arg5 : memref<32x1000xf32, #tpu.memory_space<vmem>>) target_semaphore(%arg8 : memref<!tpu.dma_semaphore, #tpu.memory_space<semaphore_mem>>)
    %add3A_61 = arith.constant 128 : i32
    %add3A_62 = arith.addi %add3A_4, %add3A_61 : i32
    %dma_wait3A_63 = arith.constant 0 : i32
    %dma_wait3A_64 = tpu.memref_slice %arg2[%add3A_62, %dma_wait3A_63] : memref<16384x1000xf32, #tpu.memory_space<hbm>> -> memref<32x1000xf32, #tpu.memory_space<hbm>>
    %dma_wait3A_65 = arith.constant 0 : i32
    %dma_wait3A_66 = tpu.memref_slice %arg2[%add3A_62, %dma_wait3A_65] : memref<16384x1000xf32, #tpu.memory_space<hbm>> -> memref<32x1000xf32, #tpu.memory_space<hbm>>
    tpu.wait_dma2 semaphore(%arg7 : memref<!tpu.dma_semaphore, #tpu.memory_space<semaphore_mem>>) src(%dma_wait3A_66 : memref<32x1000xf32, #tpu.memory_space<hbm>>) dst(%arg4 : memref<32x1000xf32, #tpu.memory_space<vmem>>)
    %add3A_67 = arith.constant 192 : i32
    %add3A_68 = arith.addi %add3A_4, %add3A_67 : i32
    %dma_start3A_69 = arith.constant 0 : i32
    %dma_start3A_70 = tpu.memref_slice %arg2[%add3A_68, %dma_start3A_69] : memref<16384x1000xf32, #tpu.memory_space<hbm>> -> memref<32x1000xf32, #tpu.memory_space<hbm>>
    %dma_start3A_71 = arith.constant 0 : i32
    %dma_start3A_72 = tpu.memref_slice %arg2[%add3A_68, %dma_start3A_71] : memref<16384x1000xf32, #tpu.memory_space<hbm>> -> memref<32x1000xf32, #tpu.memory_space<hbm>>
    tpu.enqueue_dma source(%dma_start3A_72 : memref<32x1000xf32, #tpu.memory_space<hbm>>) target(%arg4 : memref<32x1000xf32, #tpu.memory_space<vmem>>) target_semaphore(%arg7 : memref<!tpu.dma_semaphore, #tpu.memory_space<semaphore_mem>>)
    %add3A_73 = arith.constant 160 : i32
    %add3A_74 = arith.addi %add3A_4, %add3A_73 : i32
    %dma_wait3A_75 = arith.constant 0 : i32
    %dma_wait3A_76 = tpu.memref_slice %arg2[%add3A_74, %dma_wait3A_75] : memref<16384x1000xf32, #tpu.memory_space<hbm>> -> memref<32x1000xf32, #tpu.memory_space<hbm>>
    %dma_wait3A_77 = arith.constant 0 : i32
    %dma_wait3A_78 = tpu.memref_slice %arg2[%add3A_74, %dma_wait3A_77] : memref<16384x1000xf32, #tpu.memory_space<hbm>> -> memref<32x1000xf32, #tpu.memory_space<hbm>>
    tpu.wait_dma2 semaphore(%arg8 : memref<!tpu.dma_semaphore, #tpu.memory_space<semaphore_mem>>) src(%dma_wait3A_78 : memref<32x1000xf32, #tpu.memory_space<hbm>>) dst(%arg5 : memref<32x1000xf32, #tpu.memory_space<vmem>>)
    %add3A_79 = arith.constant 192 : i32
    %add3A_80 = arith.addi %add3A_4, %add3A_79 : i32
    %dma_wait3A_81 = arith.constant 0 : i32
    %dma_wait3A_82 = tpu.memref_slice %arg2[%add3A_80, %dma_wait3A_81] : memref<16384x1000xf32, #tpu.memory_space<hbm>> -> memref<32x1000xf32, #tpu.memory_space<hbm>>
    %dma_wait3A_83 = arith.constant 0 : i32
    %dma_wait3A_84 = tpu.memref_slice %arg2[%add3A_80, %dma_wait3A_83] : memref<16384x1000xf32, #tpu.memory_space<hbm>> -> memref<32x1000xf32, #tpu.memory_space<hbm>>
    tpu.wait_dma2 semaphore(%arg7 : memref<!tpu.dma_semaphore, #tpu.memory_space<semaphore_mem>>) src(%dma_wait3A_84 : memref<32x1000xf32, #tpu.memory_space<hbm>>) dst(%arg4 : memref<32x1000xf32, #tpu.memory_space<vmem>>)
    %get3A = arith.constant 0 : i32
    %get3A_85 = arith.index_cast %get3A : i32 to index
    %get3A_86 = arith.constant 0 : index
    %get3A_87 = tpu.vector_load %arg4[%get3A_85, %get3A_86] {strides = array<i32>} : memref<32x1000xf32, #tpu.memory_space<vmem>>, vector<1x16xf32>,
    %get3A_88 = vector.shape_cast %get3A_87 : vector<1x16xf32> to vector<16xf32>
    %swap3A = arith.constant 0 : index
    %swap3A_89 = tpu.vector_load %arg6[%swap3A] {strides = array<i32>} : memref<16xf32, #tpu.memory_space<vmem>>, vector<16xf32>,
    %swap3A_90 = vector.shape_cast %swap3A_89 : vector<16xf32> to vector<16xf32>
    %swap3A_91 = vector.shape_cast %get3A_88 : vector<16xf32> to vector<16xf32>
    tpu.vector_store %arg6[%swap3A], %swap3A_91 {strides = array<i32>} : memref<16xf32, #tpu.memory_space<vmem>>, vector<16xf32>,
    "tpu.region"() ({
      %run_scoped3A = tpu.sem_alloc : memref<!tpu.dma_semaphore, #tpu.memory_space<semaphore_mem>>
      %dma_start3A_92 = arith.constant 0 : i32
      %dma_start3A_93 = tpu.memref_slice %arg3[%add3A, %dma_start3A_92] : memref<32x16xf32, #tpu.memory_space<hbm>> -> memref<1x16xf32, #tpu.memory_space<hbm>>
      %dma_start3A_94 = tpu.memref_squeeze %dma_start3A_93 : memref<1x16xf32, #tpu.memory_space<hbm>> -> memref<16xf32, #tpu.memory_space<hbm>>
      %dma_start3A_95 = arith.constant 0 : i32
      %dma_start3A_96 = tpu.memref_slice %arg3[%add3A, %dma_start3A_95] : memref<32x16xf32, #tpu.memory_space<hbm>> -> memref<1x16xf32, #tpu.memory_space<hbm>>
      %dma_start3A_97 = tpu.memref_squeeze %dma_start3A_96 : memref<1x16xf32, #tpu.memory_space<hbm>> -> memref<16xf32, #tpu.memory_space<hbm>>
      tpu.enqueue_dma source(%arg6 : memref<16xf32, #tpu.memory_space<vmem>>) target(%dma_start3A_97 : memref<16xf32, #tpu.memory_space<hbm>>) target_semaphore(%run_scoped3A : memref<!tpu.dma_semaphore, #tpu.memory_space<semaphore_mem>>)
      %dma_wait3A_98 = arith.constant 0 : i32
      %dma_wait3A_99 = tpu.memref_slice %arg3[%add3A, %dma_wait3A_98] : memref<32x16xf32, #tpu.memory_space<hbm>> -> memref<1x16xf32, #tpu.memory_space<hbm>>
      %dma_wait3A_100 = tpu.memref_squeeze %dma_wait3A_99 : memref<1x16xf32, #tpu.memory_space<hbm>> -> memref<16xf32, #tpu.memory_space<hbm>>
      %dma_wait3A_101 = arith.constant 0 : i32
      %dma_wait3A_102 = tpu.memref_slice %arg3[%add3A, %dma_wait3A_101] : memref<32x16xf32, #tpu.memory_space<hbm>> -> memref<1x16xf32, #tpu.memory_space<hbm>>
      %dma_wait3A_103 = tpu.memref_squeeze %dma_wait3A_102 : memref<1x16xf32, #tpu.memory_space<hbm>> -> memref<16xf32, #tpu.memory_space<hbm>>
      tpu.wait_dma2 semaphore(%run_scoped3A : memref<!tpu.dma_semaphore, #tpu.memory_space<semaphore_mem>>) src(%arg6 : memref<16xf32, #tpu.memory_space<vmem>>) dst(%dma_wait3A_103 : memref<16xf32, #tpu.memory_space<hbm>>)
      tpu.yield
    }) : () -> ()
    return
  }
}

module attributes {stable_mosaic.version = 14 : i64} {
  func.func @_tc_multiq_body(%arg0: memref<16384x1000xf32, #tpu.memory_space<hbm>>, %arg1: memref<8x128xf32, #tpu.memory_space<vmem>>, %arg2: memref<512x1000xf32, #tpu.memory_space<vmem>>, %arg3: memref<512x1000xf32, #tpu.memory_space<vmem>>, %arg4: memref<512x1000xf32, #tpu.memory_space<vmem>>, %arg5: memref<512x1000xf32, #tpu.memory_space<vmem>>, %arg6: memref<512x1000xf32, #tpu.memory_space<vmem>>, %arg7: memref<512x1000xf32, #tpu.memory_space<vmem>>, %arg8: memref<512x1000xf32, #tpu.memory_space<vmem>>, %arg9: memref<512x1000xf32, #tpu.memory_space<vmem>>, %arg10: memref<!tpu.dma_semaphore, #tpu.memory_space<semaphore_mem>>, %arg11: memref<!tpu.dma_semaphore, #tpu.memory_space<semaphore_mem>>, %arg12: memref<!tpu.dma_semaphore, #tpu.memory_space<semaphore_mem>>, %arg13: memref<!tpu.dma_semaphore, #tpu.memory_space<semaphore_mem>>, %arg14: memref<!tpu.dma_semaphore, #tpu.memory_space<semaphore_mem>>, %arg15: memref<!tpu.dma_semaphore, #tpu.memory_space<semaphore_mem>>, %arg16: memref<!tpu.dma_semaphore, #tpu.memory_space<semaphore_mem>>, %arg17: memref<!tpu.dma_semaphore, #tpu.memory_space<semaphore_mem>>) attributes {dimension_semantics = [], scalar_prefetch = 0 : i64, scratch_operands = 16 : i64, tpu.core_type = #tpu.core_type<tc>} {
    %dma_start3A = arith.constant 0 : i32
    %dma_start3A_0 = arith.constant 0 : i32
    %dma_start3A_1 = tpu.memref_slice %arg0[%dma_start3A, %dma_start3A_0] : memref<16384x1000xf32, #tpu.memory_space<hbm>> -> memref<512x1000xf32, #tpu.memory_space<hbm>>
    tpu.enqueue_dma source(%dma_start3A_1 : memref<512x1000xf32, #tpu.memory_space<hbm>>) target(%arg2 : memref<512x1000xf32, #tpu.memory_space<vmem>>) target_semaphore(%arg10 : memref<!tpu.dma_semaphore, #tpu.memory_space<semaphore_mem>>)
    %dma_start3A_2 = arith.constant 512 : i32
    %dma_start3A_3 = arith.constant 0 : i32
    %dma_start3A_4 = tpu.memref_slice %arg0[%dma_start3A_2, %dma_start3A_3] : memref<16384x1000xf32, #tpu.memory_space<hbm>> -> memref<512x1000xf32, #tpu.memory_space<hbm>>
    tpu.enqueue_dma source(%dma_start3A_4 : memref<512x1000xf32, #tpu.memory_space<hbm>>) target(%arg3 : memref<512x1000xf32, #tpu.memory_space<vmem>>) target_semaphore(%arg11 : memref<!tpu.dma_semaphore, #tpu.memory_space<semaphore_mem>>)
    %dma_start3A_5 = arith.constant 1024 : i32
    %dma_start3A_6 = arith.constant 0 : i32
    %dma_start3A_7 = tpu.memref_slice %arg0[%dma_start3A_5, %dma_start3A_6] : memref<16384x1000xf32, #tpu.memory_space<hbm>> -> memref<512x1000xf32, #tpu.memory_space<hbm>>
    tpu.enqueue_dma source(%dma_start3A_7 : memref<512x1000xf32, #tpu.memory_space<hbm>>) target(%arg4 : memref<512x1000xf32, #tpu.memory_space<vmem>>) target_semaphore(%arg12 : memref<!tpu.dma_semaphore, #tpu.memory_space<semaphore_mem>>)
    %dma_start3A_8 = arith.constant 1536 : i32
    %dma_start3A_9 = arith.constant 0 : i32
    %dma_start3A_10 = tpu.memref_slice %arg0[%dma_start3A_8, %dma_start3A_9] : memref<16384x1000xf32, #tpu.memory_space<hbm>> -> memref<512x1000xf32, #tpu.memory_space<hbm>>
    tpu.enqueue_dma source(%dma_start3A_10 : memref<512x1000xf32, #tpu.memory_space<hbm>>) target(%arg5 : memref<512x1000xf32, #tpu.memory_space<vmem>>) target_semaphore(%arg13 : memref<!tpu.dma_semaphore, #tpu.memory_space<semaphore_mem>>)
    %dma_start3A_11 = arith.constant 2048 : i32
    %dma_start3A_12 = arith.constant 0 : i32
    %dma_start3A_13 = tpu.memref_slice %arg0[%dma_start3A_11, %dma_start3A_12] : memref<16384x1000xf32, #tpu.memory_space<hbm>> -> memref<512x1000xf32, #tpu.memory_space<hbm>>
    tpu.enqueue_dma source(%dma_start3A_13 : memref<512x1000xf32, #tpu.memory_space<hbm>>) target(%arg6 : memref<512x1000xf32, #tpu.memory_space<vmem>>) target_semaphore(%arg14 : memref<!tpu.dma_semaphore, #tpu.memory_space<semaphore_mem>>)
    %dma_start3A_14 = arith.constant 2560 : i32
    %dma_start3A_15 = arith.constant 0 : i32
    %dma_start3A_16 = tpu.memref_slice %arg0[%dma_start3A_14, %dma_start3A_15] : memref<16384x1000xf32, #tpu.memory_space<hbm>> -> memref<512x1000xf32, #tpu.memory_space<hbm>>
    tpu.enqueue_dma source(%dma_start3A_16 : memref<512x1000xf32, #tpu.memory_space<hbm>>) target(%arg7 : memref<512x1000xf32, #tpu.memory_space<vmem>>) target_semaphore(%arg15 : memref<!tpu.dma_semaphore, #tpu.memory_space<semaphore_mem>>)
    %dma_start3A_17 = arith.constant 3072 : i32
    %dma_start3A_18 = arith.constant 0 : i32
    %dma_start3A_19 = tpu.memref_slice %arg0[%dma_start3A_17, %dma_start3A_18] : memref<16384x1000xf32, #tpu.memory_space<hbm>> -> memref<512x1000xf32, #tpu.memory_space<hbm>>
    tpu.enqueue_dma source(%dma_start3A_19 : memref<512x1000xf32, #tpu.memory_space<hbm>>) target(%arg8 : memref<512x1000xf32, #tpu.memory_space<vmem>>) target_semaphore(%arg16 : memref<!tpu.dma_semaphore, #tpu.memory_space<semaphore_mem>>)
    %dma_start3A_20 = arith.constant 3584 : i32
    %dma_start3A_21 = arith.constant 0 : i32
    %dma_start3A_22 = tpu.memref_slice %arg0[%dma_start3A_20, %dma_start3A_21] : memref<16384x1000xf32, #tpu.memory_space<hbm>> -> memref<512x1000xf32, #tpu.memory_space<hbm>>
    tpu.enqueue_dma source(%dma_start3A_22 : memref<512x1000xf32, #tpu.memory_space<hbm>>) target(%arg9 : memref<512x1000xf32, #tpu.memory_space<vmem>>) target_semaphore(%arg17 : memref<!tpu.dma_semaphore, #tpu.memory_space<semaphore_mem>>)
    %dma_wait3A = arith.constant 0 : i32
    %dma_wait3A_23 = arith.constant 0 : i32
    %dma_wait3A_24 = tpu.memref_slice %arg0[%dma_wait3A, %dma_wait3A_23] : memref<16384x1000xf32, #tpu.memory_space<hbm>> -> memref<512x1000xf32, #tpu.memory_space<hbm>>
    tpu.wait_dma2 semaphore(%arg10 : memref<!tpu.dma_semaphore, #tpu.memory_space<semaphore_mem>>) src(%dma_wait3A_24 : memref<512x1000xf32, #tpu.memory_space<hbm>>) dst(%arg2 : memref<512x1000xf32, #tpu.memory_space<vmem>>)
    %dma_start3A_25 = arith.constant 4096 : i32
    %dma_start3A_26 = arith.constant 0 : i32
    %dma_start3A_27 = tpu.memref_slice %arg0[%dma_start3A_25, %dma_start3A_26] : memref<16384x1000xf32, #tpu.memory_space<hbm>> -> memref<512x1000xf32, #tpu.memory_space<hbm>>
    tpu.enqueue_dma source(%dma_start3A_27 : memref<512x1000xf32, #tpu.memory_space<hbm>>) target(%arg2 : memref<512x1000xf32, #tpu.memory_space<vmem>>) target_semaphore(%arg10 : memref<!tpu.dma_semaphore, #tpu.memory_space<semaphore_mem>>)
    %dma_wait3A_28 = arith.constant 512 : i32
    %dma_wait3A_29 = arith.constant 0 : i32
    %dma_wait3A_30 = tpu.memref_slice %arg0[%dma_wait3A_28, %dma_wait3A_29] : memref<16384x1000xf32, #tpu.memory_space<hbm>> -> memref<512x1000xf32, #tpu.memory_space<hbm>>
    tpu.wait_dma2 semaphore(%arg11 : memref<!tpu.dma_semaphore, #tpu.memory_space<semaphore_mem>>) src(%dma_wait3A_30 : memref<512x1000xf32, #tpu.memory_space<hbm>>) dst(%arg3 : memref<512x1000xf32, #tpu.memory_space<vmem>>)
    %dma_start3A_31 = arith.constant 4608 : i32
    %dma_start3A_32 = arith.constant 0 : i32
    %dma_start3A_33 = tpu.memref_slice %arg0[%dma_start3A_31, %dma_start3A_32] : memref<16384x1000xf32, #tpu.memory_space<hbm>> -> memref<512x1000xf32, #tpu.memory_space<hbm>>
    tpu.enqueue_dma source(%dma_start3A_33 : memref<512x1000xf32, #tpu.memory_space<hbm>>) target(%arg3 : memref<512x1000xf32, #tpu.memory_space<vmem>>) target_semaphore(%arg11 : memref<!tpu.dma_semaphore, #tpu.memory_space<semaphore_mem>>)
    %dma_wait3A_34 = arith.constant 1024 : i32
    %dma_wait3A_35 = arith.constant 0 : i32
    %dma_wait3A_36 = tpu.memref_slice %arg0[%dma_wait3A_34, %dma_wait3A_35] : memref<16384x1000xf32, #tpu.memory_space<hbm>> -> memref<512x1000xf32, #tpu.memory_space<hbm>>
    tpu.wait_dma2 semaphore(%arg12 : memref<!tpu.dma_semaphore, #tpu.memory_space<semaphore_mem>>) src(%dma_wait3A_36 : memref<512x1000xf32, #tpu.memory_space<hbm>>) dst(%arg4 : memref<512x1000xf32, #tpu.memory_space<vmem>>)
    %dma_start3A_37 = arith.constant 5120 : i32
    %dma_start3A_38 = arith.constant 0 : i32
    %dma_start3A_39 = tpu.memref_slice %arg0[%dma_start3A_37, %dma_start3A_38] : memref<16384x1000xf32, #tpu.memory_space<hbm>> -> memref<512x1000xf32, #tpu.memory_space<hbm>>
    tpu.enqueue_dma source(%dma_start3A_39 : memref<512x1000xf32, #tpu.memory_space<hbm>>) target(%arg4 : memref<512x1000xf32, #tpu.memory_space<vmem>>) target_semaphore(%arg12 : memref<!tpu.dma_semaphore, #tpu.memory_space<semaphore_mem>>)
    %dma_wait3A_40 = arith.constant 1536 : i32
    %dma_wait3A_41 = arith.constant 0 : i32
    %dma_wait3A_42 = tpu.memref_slice %arg0[%dma_wait3A_40, %dma_wait3A_41] : memref<16384x1000xf32, #tpu.memory_space<hbm>> -> memref<512x1000xf32, #tpu.memory_space<hbm>>
    tpu.wait_dma2 semaphore(%arg13 : memref<!tpu.dma_semaphore, #tpu.memory_space<semaphore_mem>>) src(%dma_wait3A_42 : memref<512x1000xf32, #tpu.memory_space<hbm>>) dst(%arg5 : memref<512x1000xf32, #tpu.memory_space<vmem>>)
    %dma_start3A_43 = arith.constant 5632 : i32
    %dma_start3A_44 = arith.constant 0 : i32
    %dma_start3A_45 = tpu.memref_slice %arg0[%dma_start3A_43, %dma_start3A_44] : memref<16384x1000xf32, #tpu.memory_space<hbm>> -> memref<512x1000xf32, #tpu.memory_space<hbm>>
    tpu.enqueue_dma source(%dma_start3A_45 : memref<512x1000xf32, #tpu.memory_space<hbm>>) target(%arg5 : memref<512x1000xf32, #tpu.memory_space<vmem>>) target_semaphore(%arg13 : memref<!tpu.dma_semaphore, #tpu.memory_space<semaphore_mem>>)
    %dma_wait3A_46 = arith.constant 2048 : i32
    %dma_wait3A_47 = arith.constant 0 : i32
    %dma_wait3A_48 = tpu.memref_slice %arg0[%dma_wait3A_46, %dma_wait3A_47] : memref<16384x1000xf32, #tpu.memory_space<hbm>> -> memref<512x1000xf32, #tpu.memory_space<hbm>>
    tpu.wait_dma2 semaphore(%arg14 : memref<!tpu.dma_semaphore, #tpu.memory_space<semaphore_mem>>) src(%dma_wait3A_48 : memref<512x1000xf32, #tpu.memory_space<hbm>>) dst(%arg6 : memref<512x1000xf32, #tpu.memory_space<vmem>>)
    %dma_start3A_49 = arith.constant 6144 : i32
    %dma_start3A_50 = arith.constant 0 : i32
    %dma_start3A_51 = tpu.memref_slice %arg0[%dma_start3A_49, %dma_start3A_50] : memref<16384x1000xf32, #tpu.memory_space<hbm>> -> memref<512x1000xf32, #tpu.memory_space<hbm>>
    tpu.enqueue_dma source(%dma_start3A_51 : memref<512x1000xf32, #tpu.memory_space<hbm>>) target(%arg6 : memref<512x1000xf32, #tpu.memory_space<vmem>>) target_semaphore(%arg14 : memref<!tpu.dma_semaphore, #tpu.memory_space<semaphore_mem>>)
    %dma_wait3A_52 = arith.constant 2560 : i32
    %dma_wait3A_53 = arith.constant 0 : i32
    %dma_wait3A_54 = tpu.memref_slice %arg0[%dma_wait3A_52, %dma_wait3A_53] : memref<16384x1000xf32, #tpu.memory_space<hbm>> -> memref<512x1000xf32, #tpu.memory_space<hbm>>
    tpu.wait_dma2 semaphore(%arg15 : memref<!tpu.dma_semaphore, #tpu.memory_space<semaphore_mem>>) src(%dma_wait3A_54 : memref<512x1000xf32, #tpu.memory_space<hbm>>) dst(%arg7 : memref<512x1000xf32, #tpu.memory_space<vmem>>)
    %dma_start3A_55 = arith.constant 6656 : i32
    %dma_start3A_56 = arith.constant 0 : i32
    %dma_start3A_57 = tpu.memref_slice %arg0[%dma_start3A_55, %dma_start3A_56] : memref<16384x1000xf32, #tpu.memory_space<hbm>> -> memref<512x1000xf32, #tpu.memory_space<hbm>>
    tpu.enqueue_dma source(%dma_start3A_57 : memref<512x1000xf32, #tpu.memory_space<hbm>>) target(%arg7 : memref<512x1000xf32, #tpu.memory_space<vmem>>) target_semaphore(%arg15 : memref<!tpu.dma_semaphore, #tpu.memory_space<semaphore_mem>>)
    %dma_wait3A_58 = arith.constant 3072 : i32
    %dma_wait3A_59 = arith.constant 0 : i32
    %dma_wait3A_60 = tpu.memref_slice %arg0[%dma_wait3A_58, %dma_wait3A_59] : memref<16384x1000xf32, #tpu.memory_space<hbm>> -> memref<512x1000xf32, #tpu.memory_space<hbm>>
    tpu.wait_dma2 semaphore(%arg16 : memref<!tpu.dma_semaphore, #tpu.memory_space<semaphore_mem>>) src(%dma_wait3A_60 : memref<512x1000xf32, #tpu.memory_space<hbm>>) dst(%arg8 : memref<512x1000xf32, #tpu.memory_space<vmem>>)
    %dma_start3A_61 = arith.constant 7168 : i32
    %dma_start3A_62 = arith.constant 0 : i32
    %dma_start3A_63 = tpu.memref_slice %arg0[%dma_start3A_61, %dma_start3A_62] : memref<16384x1000xf32, #tpu.memory_space<hbm>> -> memref<512x1000xf32, #tpu.memory_space<hbm>>
    tpu.enqueue_dma source(%dma_start3A_63 : memref<512x1000xf32, #tpu.memory_space<hbm>>) target(%arg8 : memref<512x1000xf32, #tpu.memory_space<vmem>>) target_semaphore(%arg16 : memref<!tpu.dma_semaphore, #tpu.memory_space<semaphore_mem>>)
    %dma_wait3A_64 = arith.constant 3584 : i32
    %dma_wait3A_65 = arith.constant 0 : i32
    %dma_wait3A_66 = tpu.memref_slice %arg0[%dma_wait3A_64, %dma_wait3A_65] : memref<16384x1000xf32, #tpu.memory_space<hbm>> -> memref<512x1000xf32, #tpu.memory_space<hbm>>
    tpu.wait_dma2 semaphore(%arg17 : memref<!tpu.dma_semaphore, #tpu.memory_space<semaphore_mem>>) src(%dma_wait3A_66 : memref<512x1000xf32, #tpu.memory_space<hbm>>) dst(%arg9 : memref<512x1000xf32, #tpu.memory_space<vmem>>)
    %dma_start3A_67 = arith.constant 7680 : i32
    %dma_start3A_68 = arith.constant 0 : i32
    %dma_start3A_69 = tpu.memref_slice %arg0[%dma_start3A_67, %dma_start3A_68] : memref<16384x1000xf32, #tpu.memory_space<hbm>> -> memref<512x1000xf32, #tpu.memory_space<hbm>>
    tpu.enqueue_dma source(%dma_start3A_69 : memref<512x1000xf32, #tpu.memory_space<hbm>>) target(%arg9 : memref<512x1000xf32, #tpu.memory_space<vmem>>) target_semaphore(%arg17 : memref<!tpu.dma_semaphore, #tpu.memory_space<semaphore_mem>>)
    %dma_wait3A_70 = arith.constant 4096 : i32
    %dma_wait3A_71 = arith.constant 0 : i32
    %dma_wait3A_72 = tpu.memref_slice %arg0[%dma_wait3A_70, %dma_wait3A_71] : memref<16384x1000xf32, #tpu.memory_space<hbm>> -> memref<512x1000xf32, #tpu.memory_space<hbm>>
    tpu.wait_dma2 semaphore(%arg10 : memref<!tpu.dma_semaphore, #tpu.memory_space<semaphore_mem>>) src(%dma_wait3A_72 : memref<512x1000xf32, #tpu.memory_space<hbm>>) dst(%arg2 : memref<512x1000xf32, #tpu.memory_space<vmem>>)
    %dma_start3A_73 = arith.constant 8192 : i32
    %dma_start3A_74 = arith.constant 0 : i32
    %dma_start3A_75 = tpu.memref_slice %arg0[%dma_start3A_73, %dma_start3A_74] : memref<16384x1000xf32, #tpu.memory_space<hbm>> -> memref<512x1000xf32, #tpu.memory_space<hbm>>
    tpu.enqueue_dma source(%dma_start3A_75 : memref<512x1000xf32, #tpu.memory_space<hbm>>) target(%arg2 : memref<512x1000xf32, #tpu.memory_space<vmem>>) target_semaphore(%arg10 : memref<!tpu.dma_semaphore, #tpu.memory_space<semaphore_mem>>)
    %dma_wait3A_76 = arith.constant 4608 : i32
    %dma_wait3A_77 = arith.constant 0 : i32
    %dma_wait3A_78 = tpu.memref_slice %arg0[%dma_wait3A_76, %dma_wait3A_77] : memref<16384x1000xf32, #tpu.memory_space<hbm>> -> memref<512x1000xf32, #tpu.memory_space<hbm>>
    tpu.wait_dma2 semaphore(%arg11 : memref<!tpu.dma_semaphore, #tpu.memory_space<semaphore_mem>>) src(%dma_wait3A_78 : memref<512x1000xf32, #tpu.memory_space<hbm>>) dst(%arg3 : memref<512x1000xf32, #tpu.memory_space<vmem>>)
    %dma_start3A_79 = arith.constant 8704 : i32
    %dma_start3A_80 = arith.constant 0 : i32
    %dma_start3A_81 = tpu.memref_slice %arg0[%dma_start3A_79, %dma_start3A_80] : memref<16384x1000xf32, #tpu.memory_space<hbm>> -> memref<512x1000xf32, #tpu.memory_space<hbm>>
    tpu.enqueue_dma source(%dma_start3A_81 : memref<512x1000xf32, #tpu.memory_space<hbm>>) target(%arg3 : memref<512x1000xf32, #tpu.memory_space<vmem>>) target_semaphore(%arg11 : memref<!tpu.dma_semaphore, #tpu.memory_space<semaphore_mem>>)
    %dma_wait3A_82 = arith.constant 5120 : i32
    %dma_wait3A_83 = arith.constant 0 : i32
    %dma_wait3A_84 = tpu.memref_slice %arg0[%dma_wait3A_82, %dma_wait3A_83] : memref<16384x1000xf32, #tpu.memory_space<hbm>> -> memref<512x1000xf32, #tpu.memory_space<hbm>>
    tpu.wait_dma2 semaphore(%arg12 : memref<!tpu.dma_semaphore, #tpu.memory_space<semaphore_mem>>) src(%dma_wait3A_84 : memref<512x1000xf32, #tpu.memory_space<hbm>>) dst(%arg4 : memref<512x1000xf32, #tpu.memory_space<vmem>>)
    %dma_wait3A_85 = arith.constant 5632 : i32
    %dma_wait3A_86 = arith.constant 0 : i32
    %dma_wait3A_87 = tpu.memref_slice %arg0[%dma_wait3A_85, %dma_wait3A_86] : memref<16384x1000xf32, #tpu.memory_space<hbm>> -> memref<512x1000xf32, #tpu.memory_space<hbm>>
    tpu.wait_dma2 semaphore(%arg13 : memref<!tpu.dma_semaphore, #tpu.memory_space<semaphore_mem>>) src(%dma_wait3A_87 : memref<512x1000xf32, #tpu.memory_space<hbm>>) dst(%arg5 : memref<512x1000xf32, #tpu.memory_space<vmem>>)
    %dma_wait3A_88 = arith.constant 6144 : i32
    %dma_wait3A_89 = arith.constant 0 : i32
    %dma_wait3A_90 = tpu.memref_slice %arg0[%dma_wait3A_88, %dma_wait3A_89] : memref<16384x1000xf32, #tpu.memory_space<hbm>> -> memref<512x1000xf32, #tpu.memory_space<hbm>>
    tpu.wait_dma2 semaphore(%arg14 : memref<!tpu.dma_semaphore, #tpu.memory_space<semaphore_mem>>) src(%dma_wait3A_90 : memref<512x1000xf32, #tpu.memory_space<hbm>>) dst(%arg6 : memref<512x1000xf32, #tpu.memory_space<vmem>>)
    %dma_wait3A_91 = arith.constant 6656 : i32
    %dma_wait3A_92 = arith.constant 0 : i32
    %dma_wait3A_93 = tpu.memref_slice %arg0[%dma_wait3A_91, %dma_wait3A_92] : memref<16384x1000xf32, #tpu.memory_space<hbm>> -> memref<512x1000xf32, #tpu.memory_space<hbm>>
    tpu.wait_dma2 semaphore(%arg15 : memref<!tpu.dma_semaphore, #tpu.memory_space<semaphore_mem>>) src(%dma_wait3A_93 : memref<512x1000xf32, #tpu.memory_space<hbm>>) dst(%arg7 : memref<512x1000xf32, #tpu.memory_space<vmem>>)
    %dma_wait3A_94 = arith.constant 7168 : i32
    %dma_wait3A_95 = arith.constant 0 : i32
    %dma_wait3A_96 = tpu.memref_slice %arg0[%dma_wait3A_94, %dma_wait3A_95] : memref<16384x1000xf32, #tpu.memory_space<hbm>> -> memref<512x1000xf32, #tpu.memory_space<hbm>>
    tpu.wait_dma2 semaphore(%arg16 : memref<!tpu.dma_semaphore, #tpu.memory_space<semaphore_mem>>) src(%dma_wait3A_96 : memref<512x1000xf32, #tpu.memory_space<hbm>>) dst(%arg8 : memref<512x1000xf32, #tpu.memory_space<vmem>>)
    %dma_wait3A_97 = arith.constant 7680 : i32
    %dma_wait3A_98 = arith.constant 0 : i32
    %dma_wait3A_99 = tpu.memref_slice %arg0[%dma_wait3A_97, %dma_wait3A_98] : memref<16384x1000xf32, #tpu.memory_space<hbm>> -> memref<512x1000xf32, #tpu.memory_space<hbm>>
    tpu.wait_dma2 semaphore(%arg17 : memref<!tpu.dma_semaphore, #tpu.memory_space<semaphore_mem>>) src(%dma_wait3A_99 : memref<512x1000xf32, #tpu.memory_space<hbm>>) dst(%arg9 : memref<512x1000xf32, #tpu.memory_space<vmem>>)
    %dma_wait3A_100 = arith.constant 8192 : i32
    %dma_wait3A_101 = arith.constant 0 : i32
    %dma_wait3A_102 = tpu.memref_slice %arg0[%dma_wait3A_100, %dma_wait3A_101] : memref<16384x1000xf32, #tpu.memory_space<hbm>> -> memref<512x1000xf32, #tpu.memory_space<hbm>>
    tpu.wait_dma2 semaphore(%arg10 : memref<!tpu.dma_semaphore, #tpu.memory_space<semaphore_mem>>) src(%dma_wait3A_102 : memref<512x1000xf32, #tpu.memory_space<hbm>>) dst(%arg2 : memref<512x1000xf32, #tpu.memory_space<vmem>>)
    %dma_wait3A_103 = arith.constant 8704 : i32
    %dma_wait3A_104 = arith.constant 0 : i32
    %dma_wait3A_105 = tpu.memref_slice %arg0[%dma_wait3A_103, %dma_wait3A_104] : memref<16384x1000xf32, #tpu.memory_space<hbm>> -> memref<512x1000xf32, #tpu.memory_space<hbm>>
    tpu.wait_dma2 semaphore(%arg11 : memref<!tpu.dma_semaphore, #tpu.memory_space<semaphore_mem>>) src(%dma_wait3A_105 : memref<512x1000xf32, #tpu.memory_space<hbm>>) dst(%arg3 : memref<512x1000xf32, #tpu.memory_space<vmem>>)
    %get3A = arith.constant 0 : index
    %get3A_106 = arith.constant 0 : index
    %get3A_107 = vector.load %arg2[%get3A, %get3A_106] : memref<512x1000xf32, #tpu.memory_space<vmem>>, vector<8x128xf32>
    %swap3A = arith.constant 0 : index
    %swap3A_108 = arith.constant 0 : index
    %swap3A_109 = vector.load %arg1[%swap3A, %swap3A_108] : memref<8x128xf32, #tpu.memory_space<vmem>>, vector<8x128xf32>
    tpu.vector_store %arg1[%swap3A, %swap3A_108], %get3A_107 {strides = array<i32>} : memref<8x128xf32, #tpu.memory_space<vmem>>, vector<8x128xf32>,
    return
  }
}

</mosaic_0001>

<sc_bundles>
// kernel: kernel.4.cloned.1.call-start
scs
__scs_entry_jumppad:
0x0: {  	(pc) =	sbr.rel $0x88, $3  }
0x1: {  	(tag) =	ssettag $0x0;
	lr =	simm.s32 $0x1  }
0x2: {  	[smem:$0x3FA0] =	sst lr;
	_ =	strace $0xD0000000  }
0x3: {  	_ = 	snop  }
0x4: {  	_ = 	snop  }
0x5: {  	_ = 	snop  }
0x6: {  	_ = 	snop  }
0x7: {  	_ = 	snop  }
__scs_overlays_trampoline_lowered:
0x8: {  	[smem:$0x3FAF] =	sst s0  }
0x9: {  	[smem:$0x3FB0] =	sst s1  }
0xa: {  	[smem:$0x3FB1] =	sst s2  }
0xb: {  	[smem:$0x3FB2] =	sst s3  }
0xc: {  	[smem:$0x3FB3] =	sst s4  }
0xd: {  	[smem:$0x3FB4] =	sst s5  }
0xe: {  	[smem:$0x3FB5] =	sst s6  }
0xf: {  	[smem:$0x3FB6] =	sst s7  }
0x10: {  	[smem:$0x3FB7] =	sst s8  }
0x11: {  	[smem:$0x3FB8] =	sst s9;
	s0 =	simm.s32 @!p0 $0x0  }
0x12: {  	s1 =	sld [smem:$0x3F9E];
	s0 =	simm.s32 @p0 $0x1  }
0x13: {  	[smem:$0x3FB9] =	sst s0;
	s0 =	simm.s32 @!p1 $0x0  }
0x14: {  	s2 =	sld [smem:$0x3F9D];
	s0 =	simm.s32 @p1 $0x1  }
0x15: {  	[smem:$0x3FBA] =	sst s0;
	s0 =	simm.s32 @!p2 $0x0  }
0x16: {  	s3 =	sld [smem:$0x3FDB];
	s0 =	simm.s32 @p2 $0x1  }
0x17: {  	s4 =	simm.s32 $0x1BF5;
	[smem:$0x3FBC] =	sst s0  }
0x18: {  	s0 =	sld [smem:$0x3F9F];
	_ =	swait.ge [sflag:s4], $0x0  }
0x19: {  	s7 =	sld [smem:$0x3FA0]  }
0x1a: {  	s8 =	sadd.s32 $0xFFFFE003, lr  }
0x1b: {  	s9 =	sadd.s32 $0xFFFFFEF7, lr;
	s5 =	simm.s32 $0xFFFFFFFF;
	p2 =	slt.u32 s8, $0xFFFFF086  }
0x1c: {  	p1 =	slt.u32 s9, $0xF7A;
	s5 =	simm.s32 @!p2 $0x0  }
0x1d: {  	s5 =	simm.s32 @p1 $0x1;
	p0 =	seq.s32 s7, s2  }
0x1e: {  	s7 =	smul.u32 @!p0 $0xF7A, s2;
	p2 =	seq.s32 @!p0 s5, $0x0  }
0x1f: {  	s9 =	smul.u32 $0xF7A, s1;
	s8 =	simm.s32 @!p0 $0x1BF5;
	p2 =	por !p2, p0  }
0x20: {  	[sflag:s8] =	ssyncset.s32 @!p0 $0xFFFFF086;
	s6 =	sadd.s32 @!p0 s3, s7;
	s7 =	simm.s32 @!p0 $0x108  }
0x21: {  	s3 =	sadd.s32 s3, s9;
	s6 =	sadd.s32 @!p0 $0x88, s6;
	s7 =	simm.s32 @p2 $0x1082  }
0x22: {  	[simem:s7], [sflag:s8] =	dma.local @!p0 [hbm:s6], $0xF7A  }
0x23: {  	s9 =	sor.u32 $0xD0000000, s2;
	s6 =	simm.s32 $0x108;
	_ =	swait.ge @!p0 [sflag:s8], $0x0  }
0x24: {  	s3 =	sadd.s32 $0x88, s3;
	s6 =	simm.s32 @!p1 $0x1082;
	[sflag:s4] =	ssyncset.s32 $0xFFFFF086  }
0x25: {  	[simem:s6], [sflag:s4] =	dma.local [hbm:s3], $0xF7A  }
0x26: {  	[smem:$0x3FA0] =	sst s1;
	(tag) =	ssettag s2;
	_ =	strace s9  }
0x27: {  	s1 =	sld [smem:$0x3FB0]  }
0x28: {  	s2 =	sld [smem:$0x3FB1]  }
0x29: {  	s4 =	sld [smem:$0x3FB3]  }
0x2a: {  	p0 =	seq.s32 s5, $0x0;
	s5 =	sld [smem:$0x3FB4]  }
0x2b: {  	s6 =	sld [smem:$0x3FB5]  }
0x2c: {  	s7 =	sld [smem:$0x3FB6]  }
0x2d: {  	s3 =	simm.s32 $0x108;
	s8 =	sld [smem:$0x3FB7]  }
0x2e: {  	s3 =	simm.s32 @!p0 $0x1082;
	s9 =	sld [smem:$0x3FB8]  }
0x2f: {  	lr =	sadd.s32 s0, s3;
	s0 =	sld [smem:$0x3FAF]  }
0x30: {  	s3 =	sld [smem:$0x3FB2]  }
0x31: {  	[smem:$0x3FBB] =	sst s10  }
0x32: {  	s10 =	sld [smem:$0x3FB9];
	_ =	sdelay $0x3  }
0x33: {  	p0 =	seq.s32 s10, $0x1;
	s10 =	sld [smem:$0x3FBB];
	_ =	sdelay $0x3  }
0x34: {  	[smem:$0x3FBB] =	sst s10  }
0x35: {  	s10 =	sld [smem:$0x3FBA];
	_ =	sdelay $0x3  }
0x36: {  	p1 =	seq.s32 s10, $0x1;
	s10 =	sld [smem:$0x3FBB];
	_ =	sdelay $0x3  }
0x37: {  	[smem:$0x3FBB] =	sst s10  }
0x38: {  	s10 =	sld [smem:$0x3FBC]  }
0x39: {  	_ = 	snop;
	(pc) =	sbr.ind lr, $3  }
0x3a: {  	_ = 	snop  }
0x3b: {  	_ = 	snop  }
0x3c: {  	p2 =	seq.s32 s10, $0x1;
	s10 =	sld [smem:$0x3FBB]  }
0x3d: {  	_ =	shalt  }
0x3e: {  	_ =	shalt  }
0x3f: {  	_ =	shalt  }
0x40: {  	_ =	shalt  }
0x41: {  	_ =	shalt  }
0x42: {  	_ =	shalt  }
0x43: {  	_ =	shalt  }
0x44: {  	_ =	shalt  }
0x45: {  	_ =	shalt  }
0x46: {  	_ =	shalt  }
0x47: {  	_ =	shalt  }
0x48: {  	_ =	shalt  }
0x49: {  	_ =	shalt  }
0x4a: {  	_ =	shalt  }
0x4b: {  	_ =	shalt  }
0x4c: {  	_ =	shalt  }
0x4d: {  	_ =	shalt  }
0x4e: {  	_ =	shalt  }
0x4f: {  	_ =	shalt  }
0x50: {  	_ =	shalt  }
0x51: {  	_ =	shalt  }
0x52: {  	_ =	shalt  }
0x53: {  	_ =	shalt  }
0x54: {  	_ =	shalt  }
0x55: {  	_ =	shalt  }
0x56: {  	_ =	shalt  }
0x57: {  	_ =	shalt  }
0x58: {  	_ =	shalt  }
0x59: {  	_ =	shalt  }
0x5a: {  	_ =	shalt  }
0x5b: {  	_ =	shalt  }
0x5c: {  	_ =	shalt  }
0x5d: {  	_ =	shalt  }
0x5e: {  	_ =	shalt  }
0x5f: {  	_ =	shalt  }
0x60: {  	_ =	shalt  }
0x61: {  	_ =	shalt  }
0x62: {  	_ =	shalt  }
0x63: {  	_ =	shalt  }
0x64: {  	_ =	shalt  }
0x65: {  	_ =	shalt  }
0x66: {  	_ =	shalt  }
0x67: {  	_ =	shalt  }
0x68: {  	_ =	shalt  }
0x69: {  	_ =	shalt  }
0x6a: {  	_ =	shalt  }
0x6b: {  	_ =	shalt  }
0x6c: {  	_ =	shalt  }
0x6d: {  	_ =	shalt  }
0x6e: {  	_ =	shalt  }
0x6f: {  	_ =	shalt  }
0x70: {  	_ =	shalt  }
0x71: {  	_ =	shalt  }
0x72: {  	_ =	shalt  }
0x73: {  	_ =	shalt  }
0x74: {  	_ =	shalt  }
0x75: {  	_ =	shalt  }
0x76: {  	_ =	shalt  }
0x77: {  	_ =	shalt  }
0x78: {  	_ =	shalt  }
0x79: {  	_ =	shalt  }
0x7a: {  	_ =	shalt  }
0x7b: {  	_ =	shalt  }
0x7c: {  	_ =	shalt  }
0x7d: {  	_ =	shalt  }
0x7e: {  	_ =	shalt  }
0x7f: {  	_ =	shalt  }
0x80: {  	_ =	shalt  }
0x81: {  	_ =	shalt  }
0x82: {  	_ =	shalt  }
0x83: {  	_ =	shalt  }
0x84: {  	_ =	shalt  }
0x85: {  	_ =	shalt  }
0x86: {  	_ =	shalt  }
0x87: {  	_ =	shalt  }
.Lfunc_end0:
.L_simem_size_0:
called_computation_lowered:
.L_overlay_start_0:
0x88: {  	s2 =	sld [smem:$0x3FD9]  }
0x89: {  	s3 =	sld [smem:$0x3FFE];
	_ =	sdelay $0x1  }
0x8a: {  	s1 =	srdreg.scid  }
0x8b: {  	s0 =	sand.u32 $0x1, s1  }
0x8c: {  	s16 =	sshll.u32 s0, $0xA;
	s2 =	sadd.s32 s3, s2  }
0x8d: {  	s2 =	sadd.s32 s2, s16  }
0x8e: {  	[smem:$0x3FC7] =	sst s2  }
0x8f: {  	_ = 	snop  }
0x90: {  	(tm) =	ssettm $0x1  }
0x91: {  	s17 =	sld [smem:$0x3FFB];
	_ =	sdelay $0x3  }
0x92: {  	_ =	strace s17  }
0x93: {  	s2 =	sld [smem:$0x3FFC];
	_ =	sdelay $0x3  }
0x94: {  	_ =	strace s2  }
0x95: {  	s2 =	sld [smem:$0x3FFD];
	_ =	sdelay $0x3  }
0x96: {  	_ =	strace s2  }
0x97: {  	_ =	strace $0x8FFFFFFF  }
0x98: {  	s18 =	sld [smem:$0x3FDB];
	_ =	sdelay $0x1  }
0x99: {  	s19 =	simm.s32 $_scs_section_size  }
0x9a: {  	s4 =	simm.s32 $_size__tile_overlayer_lowered;
	s5 =	simm.s32 $_tile_overlayer_lowered  }
0x9b: {  	s22 =	simm.s32 $0x1BFF;
	s21 =	sshll.u32 s5, $0x1;
	s2 =	sadd.s32 s19, s18  }
0x9c: {  	s6 =	simm.s32 $0x0;
	s20 =	sshll.u32 s4, $0x1;
	s4 =	sadd.s32 s21, s2  }
0x9d: {  	[timem:s6], [sflag:s22] =	dma.local [hbm:s4], s20  }
0x9e: {  	_ =	swait.ge [sflag:s22], s20  }
0x9f: {  	s3 =	ssub.s32 $0x0, s20;
	[sflag:s22] =	ssyncset.done $0x0  }
0xa0: {  	[sflag:s22] =	ssyncadd.s32 s3;
	_ =	sdelay $0x1  }
0xa1: {  	s23 =	simm.s32 $0x1B8B  }
0xa2: {  	_ =	swait.ge [sflag:s23], $0x1  }
0xa3: {  	[sflag:s23] =	ssyncset.done $0x0  }
0xa4: {  	s25 =	simm.s32 $0x1B8E;
	s24 =	sld [smem:$0x3FFE];
	[sflag:s23] =	ssyncadd.s32 $0xFFFFFFFF  }
0xa5: {  	s26 =	simm.s32 $execute0_lowered;
	[smem:$0x3FD2] =	sst s25  }
0xa6: {  	s4 =	sshll.u32 s26, $0x1;
	_ =	strace $0x80000046;
	[dreg:$0x1] =	wrdreg $0xFFFFFFFF  }
0xa7: {  	s28 =	simm.s32 $_size_execute0_lowered;
	s2 =	sadd.s32 s2, s4;
	[dreg:$0x0] =	wrdreg $0x0  }
0xa8: {  	s4 =	sshll.u32 s28, $0x1;
	[dreg:$0x2] =	wrdreg s2  }
0xa9: {  	[dreg:$0x3] =	wrdreg s4  }
0xaa: {  	[dreg:$0x4] =	wrdreg $0xC0  }
0xab: {  	_ =	task [dreg:s6], $0x5FFFF  }
0xac: {  	[dreg:$0x1] =	wrdreg $0xFFFFFFFF  }
0xad: {  	[dreg:$0x0] =	wrdreg $0x60  }
0xae: {  	[dreg:$0x2] =	wrdreg s24  }
0xaf: {  	[dreg:$0x3] =	wrdreg $0x9  }
0xb0: {  	_ =	task.clear_ibuf [dreg:s6], $0x4FFFF;
	_ =	strace $0x90000046  }
0xb1: {  	s29 =	simm.s32 $0x9;
	_ =	strace $0x80000048  }
0xb2: {  	_ =	swait.ge [sflag:s29], $0x1  }
0xb3: {  	[sflag:s29] =	ssyncadd.s32 $0xFFFFFFFF  }
0xb4: {  	_ =	strace $0x90000048  }
0xb5: {  	_ =	sfence  }
0xb6: {  	s30 =	sld [smem:$0x0];
	_ =	sdelay $0x2  }
0xb7: {  	s31 =	sshll.u32 s1, $0xD;
	s1 =	sshrl.u32 s1, $0x2  }
0xb8: {  	s3 =	sand.u32 $0x4000, s31;
	s1 =	sadd.s32 s1, s30  }
0xb9: {  	s0 =	sor.u32 s3, s0;
	s1 =	sshll.u32 s1, $0x11  }
0xba: {  	s0 =	sor.u32 s1, s0  }
0xbb: {  	s0 =	sadd.s32 $0x8F2B, s0  }
0xbc: {  	[sflag:s0] =	ssyncadd.remote.s32 $0x1  }
0xbd: {  	_ =	sfence.sel $0xFFFF  }
0xbe: {  	[dreg:$0x0] =	wrdreg $0xFFFFFFFF;
	(pc) =	sbr.abs _section_cstart, $3  }
0xbf: {  	[dreg:$0x1] =	wrdreg $0xFFFFFFFF  }
0xc0: {  	_ =	task.clear_ibuf [dreg:s6], $0x2FFFF;
	_ =	strace $0x9FFFFFFF  }
0xc1: {  	(tm) =	ssettm $0x7FFFFFFF  }
tec
execute0_lowered:
.L_overlay_start_1:
0x0: {  	(tag) =	ssettag $0x1  }
0x1: {  	s0 =	srdreg.scid  }
0x2: {  	s13 =	sand.u32 $0x1, s0  }
0x3: {  	s0 =	stileid.u32;
	s1 =	sshll.u32 s13, $0x4  }
0x4: {  	s14 =	sor.u32 s0, s1  }
0x5: {  	s3 =	smul.u32 $0x38000, s14;
	_ =	sdelay $0x1  }
0x6: {  	s15 =	rddreg [dreg:$0x0];
	s2 =	simm.s32 $0x0;
	s3 =	sshrl.u32 s3, $0x3  }
0x7: {  	[smem:$0x7FF] =	sst s2;
	s12 =	sadd.s32 s15, s3  }
0x8: {  	s1 =	rddreg [dreg:$0x1];
	_ =	strace $0x80000047;
	s3 =	sadd.s32 $0x120000, s12  }
0x9: {  	[tilespmem:s2], [sflag:$0x1] =	stream.linear.gather [hbm4b:s3+s2], $0x8000, $0x38;
	[tilespmem:$0x10080] =	vst v63  }
0xa: {  	s5 =	simm.s32 $0x8000;
	s6 =	simm.s32 $0x1;
	s4 =	sadd.s32 $0x121000, s12  }
0xb: {  	[tilespmem:s5], [sflag:$0x2] =	stream.linear.gather [hbm4b:s4+s2], $0x8000, $0x38;
	[tilespmem:$0x10080] =	vst v63  }
0xc: {  	_ =	swait.ge [sflag:s6], $0x8000  }
0xd: {  	[sflag:s6] =	ssyncset.done $0x0  }
0xe: {  	s8 =	simm.s32 $0x2;
	s7 =	sadd.s32 $0x122000, s12;
	[sflag:s6] =	ssyncadd.s32 $0xFFFF8000  }
0xf: {  	[tilespmem:s2], [sflag:$0x1] =	stream.linear.gather [hbm4b:s7+s2], $0x8000, $0x38;
	[tilespmem:$0x10080] =	vst v63  }
0x10: {  	_ =	swait.ge [sflag:s8], $0x8000  }
0x11: {  	[sflag:s8] =	ssyncset.done $0x0  }
0x12: {  	s9 =	sadd.s32 $0x123000, s12;
	[sflag:s8] =	ssyncadd.s32 $0xFFFF8000  }
0x13: {  	[tilespmem:s5], [sflag:$0x2] =	stream.linear.gather [hbm4b:s9+s2], $0x8000, $0x38;
	[tilespmem:$0x10080] =	vst v63  }
0x14: {  	_ =	swait.ge [sflag:s6], $0x8000  }
0x15: {  	[sflag:s6] =	ssyncset.done $0x0  }
0x16: {  	s10 =	sadd.s32 $0x124000, s12;
	[sflag:s6] =	ssyncadd.s32 $0xFFFF8000  }
0x17: {  	[tilespmem:s2], [sflag:$0x1] =	stream.linear.gather [hbm4b:s10+s2], $0x8000, $0x38;
	[tilespmem:$0x10080] =	vst v63  }
0x18: {  	_ =	swait.ge [sflag:s8], $0x8000  }
0x19: {  	[sflag:s8] =	ssyncset.done $0x0  }
0x1a: {  	s11 =	sadd.s32 $0x125000, s12;
	[sflag:s8] =	ssyncadd.s32 $0xFFFF8000  }
0x1b: {  	[tilespmem:s5], [sflag:$0x2] =	stream.linear.gather [hbm4b:s11+s2], $0x8000, $0x38;
	[tilespmem:$0x10080] =	vst v63  }
0x1c: {  	_ =	swait.ge [sflag:s6], $0x8000  }
0x1d: {  	[sflag:s6] =	ssyncset.done $0x0  }
0x1e: {  	s12 =	sadd.s32 $0x126000, s12;
	[sflag:s6] =	ssyncadd.s32 $0xFFFF8000  }
0x1f: {  	[tilespmem:s2], [sflag:$0x1] =	stream.linear.gather [hbm4b:s12+s2], $0x8000, $0x38;
	[tilespmem:$0x10080] =	vst v63  }
0x20: {  	_ =	swait.ge [sflag:s8], $0x8000  }
0x21: {  	[sflag:s8] =	ssyncset.done $0x0  }
0x22: {  	[sflag:s8] =	ssyncadd.s32 $0xFFFF8000  }
0x23: {  	_ =	swait.ge [sflag:s6], $0x8000  }
0x24: {  	[sflag:s6] =	ssyncset.done $0x0  }
0x25: {  	s13 =	ssub.s32 $0x2, s13;
	[sflag:s6] =	ssyncadd.s32 $0xFFFF8000  }
0x26: {  	s16 =	sshll.u32 s0, $0x4;
	s30 =	sshrl.u32 s13, $0x1;
	v0 =	vld [tilespmem:$0x0]  }
0x27: {  	s16 =	sand.u32 $0x70, s16;
	s31 =	ssub.s32 s13, s30  }
0x28: {  	s14 =	sshll.u32 s14, $0x4;
	s15 =	sadd.s32 s16, s15;
	s16 =	smax.u32 s31, $0x1  }
0x29: {  	s14 =	sand.u32 $0x180, s14;
	p0 =	sne.s32 s16, $0x1  }
.Ltmp0:
0x2a: {  	s14 =	sadd.s32 s14, s15;
	(pc) =	sbr.rel @!p0 .LBB2_2-.Ltmp0, $4  }
0x2b: {  	s15 =	simm.s32 $0x10000;
	s13 =	sadd.s32 $0x200000, s14;
	s14 =	simm.s32 $0x3;
	[tilespmem:$0x10000] =	vst v0  }
0x2c: {  	[hbm4b:s13+s2] =	stream.linear.scatter [tilespmem:s15], [sflag:$0x3], $0x80, $0x38;
	[tilespmem:$0x10080] =	vst v63  }
0x2d: {  	_ =	swait.ge [sflag:s14], $0x80  }
0x2e: {  	s16 =	sadd.s32 $0xFFFFFFFF, s16;
	[sflag:s14] =	ssyncset.done $0x0  }
.LBB2_1:
0x2f: {  	p0 =	sne.s32 s16, $0x1;
	s16 =	sadd.s32 $0xFFFFFFFF, s16;
	[sflag:s14] =	ssyncadd.s32 $0xFFFFFF80  }
0x30: {  	[tilespmem:s2], [sflag:$0x1] =	stream.linear.gather [hbm4b:s3+s2], $0x8000, $0x38;
	[tilespmem:$0x10080] =	vst v63  }
0x31: {  	_ = 	snop  }
0x32: {  	[tilespmem:s5], [sflag:$0x2] =	stream.linear.gather [hbm4b:s4+s2], $0x8000, $0x38;
	[tilespmem:$0x10080] =	vst v63  }
0x33: {  	_ =	swait.ge [sflag:s6], $0x8000  }
0x34: {  	[sflag:s6] =	ssyncset.done $0x0  }
0x35: {  	[sflag:s6] =	ssyncadd.s32 $0xFFFF8000  }
0x36: {  	[tilespmem:s2], [sflag:$0x1] =	stream.linear.gather [hbm4b:s7+s2], $0x8000, $0x38;
	[tilespmem:$0x10080] =	vst v63  }
0x37: {  	_ =	swait.ge [sflag:s8], $0x8000  }
0x38: {  	[sflag:s8] =	ssyncset.done $0x0  }
0x39: {  	[sflag:s8] =	ssyncadd.s32 $0xFFFF8000  }
0x3a: {  	[tilespmem:s5], [sflag:$0x2] =	stream.linear.gather [hbm4b:s9+s2], $0x8000, $0x38;
	[tilespmem:$0x10080] =	vst v63  }
0x3b: {  	_ =	swait.ge [sflag:s6], $0x8000  }
0x3c: {  	[sflag:s6] =	ssyncset.done $0x0  }
0x3d: {  	[sflag:s6] =	ssyncadd.s32 $0xFFFF8000  }
0x3e: {  	[tilespmem:s2], [sflag:$0x1] =	stream.linear.gather [hbm4b:s10+s2], $0x8000, $0x38;
	[tilespmem:$0x10080] =	vst v63  }
0x3f: {  	_ =	swait.ge [sflag:s8], $0x8000  }
0x40: {  	[sflag:s8] =	ssyncset.done $0x0  }
0x41: {  	[sflag:s8] =	ssyncadd.s32 $0xFFFF8000  }
0x42: {  	[tilespmem:s5], [sflag:$0x2] =	stream.linear.gather [hbm4b:s11+s2], $0x8000, $0x38;
	[tilespmem:$0x10080] =	vst v63  }
0x43: {  	_ =	swait.ge [sflag:s6], $0x8000  }
0x44: {  	[sflag:s6] =	ssyncset.done $0x0  }
0x45: {  	[sflag:s6] =	ssyncadd.s32 $0xFFFF8000  }
0x46: {  	[tilespmem:s2], [sflag:$0x1] =	stream.linear.gather [hbm4b:s12+s2], $0x8000, $0x38;
	[tilespmem:$0x10080] =	vst v63  }
0x47: {  	_ =	swait.ge [sflag:s8], $0x8000  }
0x48: {  	[sflag:s8] =	ssyncset.done $0x0  }
0x49: {  	[sflag:s8] =	ssyncadd.s32 $0xFFFF8000  }
0x4a: {  	_ =	swait.ge [sflag:s6], $0x8000  }
0x4b: {  	[sflag:s6] =	ssyncset.done $0x0  }
0x4c: {  	[sflag:s6] =	ssyncadd.s32 $0xFFFF8000  }
0x4d: {  	v0 =	vld [tilespmem:$0x0];
	_ =	sdelay $0x3  }
.Ltmp1:
0x4e: {  	(pc) =	sbr.rel @p0 .LBB2_1-.Ltmp1, $4  }
0x4f: {  	[tilespmem:$0x10000] =	vst v0  }
0x50: {  	[hbm4b:s13+s2] =	stream.linear.scatter [tilespmem:s15], [sflag:$0x3], $0x80, $0x38;
	[tilespmem:$0x10080] =	vst v63  }
0x51: {  	_ =	swait.ge [sflag:s14], $0x80  }
0x52: {  	[sflag:s14] =	ssyncset.done $0x0  }
.LBB2_2:
0x53: {  	[sflag:s14] =	ssyncadd.s32 $0xFFFFFF80  }
0x54: {  	_ =	sfence.sel $0x180000  }
0x55: {  	[bflag:$0x0] =	sbarrier.arrive $0xFFFF  }
0x56: {  	p0 =	sne.s32 s0, $0x0;
	_ =	strace $0x90000047  }
0x57: {  	s0 =	sadd.s32 @!p0 $0x100000, s1;
	[bflag:$0x2] =	sbarrier.arrive $0xFFFF  }
0x58: {  	[sflag:s0] =	ssyncadd.tile.s32 @!p0 $0x1;
	_ =	shalt  }
.Lfunc_end2:
_tile_overlayer_lowered:
.L_overlay_start_2:
0x59: {  	(tag) =	ssettag $0x2  }
0x5a: {  	s0 =	rddreg [dreg:$0x0];
	s2 =	stileid.u32  }
0x5b: {  	s1 =	rddreg [dreg:$0x1];
	p0 =	sne.s32 s2, $0x0  }
0x5c: {  	s3 =	rddreg [dreg:$0x2];
	[bflag:$0x3] =	sbarrier.arrive $0xFFFF;
	s2 =	simm.s32 @!p0 $0x1C03  }
0x5d: {  	[timem:s3], [sflag:s2] =	dma.local @!p0 [hbm:s0], s1  }
0x5e: {  	s0 =	simm.s32 @!p0 $0x3  }
0x5f: {  	_ =	swait.ge @!p0 [sflag:s0], s1  }
0x60: {  	s1 =	ssub.s32 @!p0 $0x0, s1;
	[sflag:s0] =	ssyncset.done @!p0 $0x0  }
0x61: {  	[sflag:s0] =	ssyncadd.s32 @!p0 s1  }
0x62: {  	[bflag:$0x3] =	sbarrier.arrive $0xFFFF  }
0x63: {  	_ =	shalt  }

</sc_bundles>
